<compile_context>
chip_gen: v7x
topology: tpu7x:2x2x1
jax: 0.10.2.dev20260603
libtpu: 0.0.44.dev20260713+nightly
codegen_flags: <defaults>
</compile_context>

<pallas_src>
import functools

import jax
import jax.numpy as jnp
from jax import lax
from jax.experimental import pallas as pl
from jax.experimental.pallas import tpu as pltpu
from jax.experimental.pallas import tpu_sc as plsc

NC, NS = 2, 16
NW = NC * NS
BB = 16384
F = 26
D = 128
BPW = BB // NW
CHB = 256
NH = BPW // CHB
CH = 128
NGPB = CHB // CH
NG = F * NH


def _sc_body(idx_hbm, table_hbm, out_hbm, idx_v, rows_v, table_sh, sem_g, sem_w):
    sid = lax.axis_index("s")
    wid = sid * NC + lax.axis_index("c")
    b0 = wid * BPW
    pltpu.sync_copy(idx_hbm.at[:, pl.ds(b0, BPW)], idx_v)

    def stage_table():
        pltpu.sync_copy(table_hbm, table_sh)

    pl.when(sid == 0)(stage_table)
    plsc.subcore_barrier()

    def fire_gather(buf, g):
        f = lax.div(g, NH)
        half = lax.rem(g, NH)
        for k in range(NGPB):
            pltpu.async_copy(
                table_sh.at[idx_v.at[f, pl.ds(half * CHB + k * CH, CH)]],
                rows_v.at[buf, pl.ds(k * CH, CH)], sem_g)

    def wait_gather():
        for k in range(NGPB):
            pltpu.make_async_copy(
                table_sh.at[idx_v.at[0, pl.ds(0, CH)]],
                rows_v.at[0, pl.ds(0, CH)], sem_g).wait()

    def start_write(buf, g):
        f = lax.div(g, NH)
        half = lax.rem(g, NH)
        pltpu.async_copy(
            rows_v.at[buf], out_hbm.at[f, pl.ds(b0 + half * CHB, CHB)], sem_w)

    def wait_write():
        pltpu.make_async_copy(
            rows_v.at[0], out_hbm.at[0, pl.ds(b0, CHB)], sem_w).wait()

    fire_gather(0, 0)
    fire_gather(1, 1)

    def body(g, carry):
        wait_gather()
        start_write(lax.rem(g, 3), g)
        pl.when(g > 0)(wait_write)

        def prefetch():
            fire_gather(lax.rem(g + 2, 3), g + 2)

        pl.when(g < NG - 2)(prefetch)
        return carry

    lax.fori_loop(0, NG, body, 0)
    wait_write()


@jax.jit
def kernel(indices, table):
    idx_t = jnp.transpose(indices.astype(jnp.int32))
    mesh = plsc.VectorSubcoreMesh(core_axis_name="c", subcore_axis_name="s")
    k = functools.partial(
        pl.kernel,
        out_type=jax.ShapeDtypeStruct((F, BB, D), jnp.float32),
        mesh=mesh,
        scratch_types=[
            pltpu.VMEM((F, BPW), jnp.int32),
            pltpu.VMEM((3, CHB, D), jnp.float32),
            pltpu.VMEM_SHARED((10, D), jnp.float32),
            pltpu.SemaphoreType.DMA,
            pltpu.SemaphoreType.DMA,
        ],
    )(_sc_body)
    out_t = k(idx_t, table)
    return jnp.transpose(out_t, (1, 0, 2))

# --- scband reference (transcript-rebuilt; emitter-appended) ---
"""Pipeline reference for scband-net-flow-obj-initializer-85212151153248 (READ-ONLY COPY).

The authoritative reference and input builder live on the scoring server;
editing this copy changes nothing except your own understanding.
"""

import jax, jax.numpy as jnp
import numpy as np


def setup_inputs(seed: int = 0) -> dict:
    key = jax.random.key(seed)
    k_idx, k_tab = jax.random.split(key)
    indices = jax.random.randint(k_idx, (16384, 26), 0, 10, dtype=jnp.int64) if jax.config.jax_enable_x64 else jax.random.randint(k_idx, (16384, 26), 0, 10, dtype=jnp.int32)
    table = jax.random.normal(k_tab, (10, 128), dtype=jnp.float32) * 0.02
    return {"indices": indices, "table": table}


def reference(indices, table):
    # Faithful translation of nn.Embedding(10, output_dim) lookup:
    # out[b, f, :] = table[indices[b, f], :]
    return jnp.take(table, indices, axis=0)

if __name__ == "__main__":
    import jax
    _d = setup_inputs()
    print(jax.jit(kernel)(*tuple(_d.values())))

</pallas_src>

<mosaic_0001>
#map = affine_map<(d0, d1) -> (0, 0)>
#map1 = affine_map<(d0, d1) -> (0, 0, 0)>
module attributes {stable_mosaic.version = 14 : i64} {
  func.func @_sc_body(%arg0: i32, %arg1: i32, %arg2: memref<26x16384xi32, #tpu.memory_space<hbm>>, %arg3: memref<10x128xf32, #tpu.memory_space<hbm>>, %arg4: memref<26x16384x128xf32, #tpu.memory_space<hbm>>, %arg5: memref<26x512xi32, #tpu.memory_space<vmem>>, %arg6: memref<3x256x128xf32, #tpu.memory_space<vmem>>, %arg7: memref<10x128xf32, #tpu.memory_space<vmem_shared>>, %arg8: memref<!tpu.dma_semaphore, #tpu.memory_space<semaphore_mem>>, %arg9: memref<!tpu.dma_semaphore, #tpu.memory_space<semaphore_mem>>) attributes {dimension_semantics = [#tpu.dimension_semantics<core_parallel>, #tpu.dimension_semantics<subcore_parallel>], iteration_bounds = array<i64: 2, 16>, scalar_prefetch = 0 : i64, scratch_operands = 5 : i64, tpu.core_type = #tpu.core_type<sc_vector_subcore>, window_params = [{transform_indices = #map}, {transform_indices = #map}, {transform_indices = #map1}]} {
    %mul3A = arith.constant 2 : i32
    %mul3A_0 = arith.muli %arg1, %mul3A : i32
    %add3A = arith.addi %mul3A_0, %arg0 : i32
    %mul3A_1 = arith.constant 512 : i32
    %mul3A_2 = arith.muli %add3A, %mul3A_1 : i32
    "tpu.region"() ({
      %run_scoped3A = tpu.sem_alloc : memref<!tpu.dma_semaphore, #tpu.memory_space<semaphore_mem>>
      %dma_start3A_90 = arith.constant 0 : i32
      %dma_start3A_91 = tpu.memref_slice %arg2[%dma_start3A_90, %mul3A_2] : memref<26x16384xi32, #tpu.memory_space<hbm>> -> memref<26x512xi32, #tpu.memory_space<hbm>>
      %dma_start3A_92 = arith.constant 0 : i32
      %dma_start3A_93 = tpu.memref_slice %arg2[%dma_start3A_92, %mul3A_2] : memref<26x16384xi32, #tpu.memory_space<hbm>> -> memref<26x512xi32, #tpu.memory_space<hbm>>
      tpu.enqueue_dma source(%dma_start3A_93 : memref<26x512xi32, #tpu.memory_space<hbm>>) target(%arg5 : memref<26x512xi32, #tpu.memory_space<vmem>>) target_semaphore(%run_scoped3A : memref<!tpu.dma_semaphore, #tpu.memory_space<semaphore_mem>>)
      %dma_wait3A_94 = arith.constant 0 : i32
      %dma_wait3A_95 = tpu.memref_slice %arg2[%dma_wait3A_94, %mul3A_2] : memref<26x16384xi32, #tpu.memory_space<hbm>> -> memref<26x512xi32, #tpu.memory_space<hbm>>
      %dma_wait3A_96 = arith.constant 0 : i32
      %dma_wait3A_97 = tpu.memref_slice %arg2[%dma_wait3A_96, %mul3A_2] : memref<26x16384xi32, #tpu.memory_space<hbm>> -> memref<26x512xi32, #tpu.memory_space<hbm>>
      tpu.wait_dma2 semaphore(%run_scoped3A : memref<!tpu.dma_semaphore, #tpu.memory_space<semaphore_mem>>) src(%dma_wait3A_97 : memref<26x512xi32, #tpu.memory_space<hbm>>) dst(%arg5 : memref<26x512xi32, #tpu.memory_space<vmem>>)
      tpu.yield
    }) : () -> ()
    %eq3A = arith.constant 0 : i32
    %eq3A_3 = arith.cmpi eq, %arg1, %eq3A : i32
    %convert_element_type3A = arith.extui %eq3A_3 : i1 to i32
    %cond3A = arith.constant 0 : i32
    %cond3A_4 = arith.cmpi ne, %convert_element_type3A, %cond3A : i32
    scf.if %cond3A_4 {
      "tpu.region"() ({
        %run_scoped3A = tpu.sem_alloc : memref<!tpu.dma_semaphore, #tpu.memory_space<semaphore_mem>>
        tpu.enqueue_dma source(%arg3 : memref<10x128xf32, #tpu.memory_space<hbm>>) target(%arg7 : memref<10x128xf32, #tpu.memory_space<vmem_shared>>) target_semaphore(%run_scoped3A : memref<!tpu.dma_semaphore, #tpu.memory_space<semaphore_mem>>)
        tpu.wait_dma2 semaphore(%run_scoped3A : memref<!tpu.dma_semaphore, #tpu.memory_space<semaphore_mem>>) src(%arg3 : memref<10x128xf32, #tpu.memory_space<hbm>>) dst(%arg7 : memref<10x128xf32, #tpu.memory_space<vmem_shared>>)
        tpu.yield
      }) : () -> ()
    } else {
    }
    %barrier3A = arith.constant 0 : index
    tpu.barrier barrier_id(%barrier3A)
    %div3A = arith.constant 0 : i32
    %div3A_5 = arith.constant 2 : i32
    %div3A_6 = arith.divsi %div3A, %div3A_5 : i32
    %rem3A = arith.constant 0 : i32
    %rem3A_7 = arith.constant 2 : i32
    %rem3A_8 = arith.remsi %rem3A, %rem3A_7 : i32
    %mul3A_9 = arith.constant 256 : i32
    %mul3A_10 = arith.muli %rem3A_8, %mul3A_9 : i32
    %add3A_11 = arith.constant 0 : i32
    %add3A_12 = arith.addi %mul3A_10, %add3A_11 : i32
    %dma_start3A = arith.constant 0 : i32
    %dma_start3A_13 = arith.constant 0 : i32
    %dma_start3A_14 = arith.constant 0 : i32
    %dma_start3A_15 = tpu.memref_slice %arg6[%dma_start3A, %dma_start3A_13, %dma_start3A_14] : memref<3x256x128xf32, #tpu.memory_space<vmem>> -> memref<1x128x128xf32, #tpu.memory_space<vmem>>
    %dma_start3A_16 = tpu.memref_squeeze %dma_start3A_15 : memref<1x128x128xf32, #tpu.memory_space<vmem>> -> memref<128x128xf32, #tpu.memory_space<vmem>>
    %dma_start3A_17 = tpu.memref_slice %arg5[%div3A_6, %add3A_12] : memref<26x512xi32, #tpu.memory_space<vmem>> -> memref<1x128xi32, #tpu.memory_space<vmem>>
    %dma_start3A_18 = tpu.memref_squeeze %dma_start3A_17 : memref<1x128xi32, #tpu.memory_space<vmem>> -> memref<128xi32, #tpu.memory_space<vmem>>
    %dma_start3A_19 = arith.constant 0 : i32
    %dma_start3A_20 = arith.constant 0 : i32
    %dma_start3A_21 = tpu.memref_slice %arg7[%dma_start3A_19, %dma_start3A_20] : memref<10x128xf32, #tpu.memory_space<vmem_shared>> -> memref<10x128xf32, #tpu.memory_space<vmem_shared>>
    tpu.enqueue_indirect_dma source(%dma_start3A_21 : memref<10x128xf32, #tpu.memory_space<vmem_shared>>) target(%dma_start3A_16 : memref<128x128xf32, #tpu.memory_space<vmem>>) offsets(%dma_start3A_18 : memref<128xi32, #tpu.memory_space<vmem>>) semaphore(%arg8 : memref<!tpu.dma_semaphore, #tpu.memory_space<semaphore_mem>>)
    %mul3A_22 = arith.constant 256 : i32
    %mul3A_23 = arith.muli %rem3A_8, %mul3A_22 : i32
    %add3A_24 = arith.constant 128 : i32
    %add3A_25 = arith.addi %mul3A_23, %add3A_24 : i32
    %dma_start3A_26 = arith.constant 0 : i32
    %dma_start3A_27 = arith.constant 128 : i32
    %dma_start3A_28 = arith.constant 0 : i32
    %dma_start3A_29 = tpu.memref_slice %arg6[%dma_start3A_26, %dma_start3A_27, %dma_start3A_28] : memref<3x256x128xf32, #tpu.memory_space<vmem>> -> memref<1x128x128xf32, #tpu.memory_space<vmem>>
    %dma_start3A_30 = tpu.memref_squeeze %dma_start3A_29 : memref<1x128x128xf32, #tpu.memory_space<vmem>> -> memref<128x128xf32, #tpu.memory_space<vmem>>
    %dma_start3A_31 = tpu.memref_slice %arg5[%div3A_6, %add3A_25] : memref<26x512xi32, #tpu.memory_space<vmem>> -> memref<1x128xi32, #tpu.memory_space<vmem>>
    %dma_start3A_32 = tpu.memref_squeeze %dma_start3A_31 : memref<1x128xi32, #tpu.memory_space<vmem>> -> memref<128xi32, #tpu.memory_space<vmem>>
    %dma_start3A_33 = arith.constant 0 : i32
    %dma_start3A_34 = arith.constant 0 : i32
    %dma_start3A_35 = tpu.memref_slice %arg7[%dma_start3A_33, %dma_start3A_34] : memref<10x128xf32, #tpu.memory_space<vmem_shared>> -> memref<10x128xf32, #tpu.memory_space<vmem_shared>>
    tpu.enqueue_indirect_dma source(%dma_start3A_35 : memref<10x128xf32, #tpu.memory_space<vmem_shared>>) target(%dma_start3A_30 : memref<128x128xf32, #tpu.memory_space<vmem>>) offsets(%dma_start3A_32 : memref<128xi32, #tpu.memory_space<vmem>>) semaphore(%arg8 : memref<!tpu.dma_semaphore, #tpu.memory_space<semaphore_mem>>)
    %div3A_36 = arith.constant 1 : i32
    %div3A_37 = arith.constant 2 : i32
    %div3A_38 = arith.divsi %div3A_36, %div3A_37 : i32
    %rem3A_39 = arith.constant 1 : i32
    %rem3A_40 = arith.constant 2 : i32
    %rem3A_41 = arith.remsi %rem3A_39, %rem3A_40 : i32
    %mul3A_42 = arith.constant 256 : i32
    %mul3A_43 = arith.muli %rem3A_41, %mul3A_42 : i32
    %add3A_44 = arith.constant 0 : i32
    %add3A_45 = arith.addi %mul3A_43, %add3A_44 : i32
    %dma_start3A_46 = arith.constant 1 : i32
    %dma_start3A_47 = arith.constant 0 : i32
    %dma_start3A_48 = arith.constant 0 : i32
    %dma_start3A_49 = tpu.memref_slice %arg6[%dma_start3A_46, %dma_start3A_47, %dma_start3A_48] : memref<3x256x128xf32, #tpu.memory_space<vmem>> -> memref<1x128x128xf32, #tpu.memory_space<vmem>>
    %dma_start3A_50 = tpu.memref_squeeze %dma_start3A_49 : memref<1x128x128xf32, #tpu.memory_space<vmem>> -> memref<128x128xf32, #tpu.memory_space<vmem>>
    %dma_start3A_51 = tpu.memref_slice %arg5[%div3A_38, %add3A_45] : memref<26x512xi32, #tpu.memory_space<vmem>> -> memref<1x128xi32, #tpu.memory_space<vmem>>
    %dma_start3A_52 = tpu.memref_squeeze %dma_start3A_51 : memref<1x128xi32, #tpu.memory_space<vmem>> -> memref<128xi32, #tpu.memory_space<vmem>>
    %dma_start3A_53 = arith.constant 0 : i32
    %dma_start3A_54 = arith.constant 0 : i32
    %dma_start3A_55 = tpu.memref_slice %arg7[%dma_start3A_53, %dma_start3A_54] : memref<10x128xf32, #tpu.memory_space<vmem_shared>> -> memref<10x128xf32, #tpu.memory_space<vmem_shared>>
    tpu.enqueue_indirect_dma source(%dma_start3A_55 : memref<10x128xf32, #tpu.memory_space<vmem_shared>>) target(%dma_start3A_50 : memref<128x128xf32, #tpu.memory_space<vmem>>) offsets(%dma_start3A_52 : memref<128xi32, #tpu.memory_space<vmem>>) semaphore(%arg8 : memref<!tpu.dma_semaphore, #tpu.memory_space<semaphore_mem>>)
    %mul3A_56 = arith.constant 256 : i32
    %mul3A_57 = arith.muli %rem3A_41, %mul3A_56 : i32
    %add3A_58 = arith.constant 128 : i32
    %add3A_59 = arith.addi %mul3A_57, %add3A_58 : i32
    %dma_start3A_60 = arith.constant 1 : i32
    %dma_start3A_61 = arith.constant 128 : i32
    %dma_start3A_62 = arith.constant 0 : i32
    %dma_start3A_63 = tpu.memref_slice %arg6[%dma_start3A_60, %dma_start3A_61, %dma_start3A_62] : memref<3x256x128xf32, #tpu.memory_space<vmem>> -> memref<1x128x128xf32, #tpu.memory_space<vmem>>
    %dma_start3A_64 = tpu.memref_squeeze %dma_start3A_63 : memref<1x128x128xf32, #tpu.memory_space<vmem>> -> memref<128x128xf32, #tpu.memory_space<vmem>>
    %dma_start3A_65 = tpu.memref_slice %arg5[%div3A_38, %add3A_59] : memref<26x512xi32, #tpu.memory_space<vmem>> -> memref<1x128xi32, #tpu.memory_space<vmem>>
    %dma_start3A_66 = tpu.memref_squeeze %dma_start3A_65 : memref<1x128xi32, #tpu.memory_space<vmem>> -> memref<128xi32, #tpu.memory_space<vmem>>
    %dma_start3A_67 = arith.constant 0 : i32
    %dma_start3A_68 = arith.constant 0 : i32
    %dma_start3A_69 = tpu.memref_slice %arg7[%dma_start3A_67, %dma_start3A_68] : memref<10x128xf32, #tpu.memory_space<vmem_shared>> -> memref<10x128xf32, #tpu.memory_space<vmem_shared>>
    tpu.enqueue_indirect_dma source(%dma_start3A_69 : memref<10x128xf32, #tpu.memory_space<vmem_shared>>) target(%dma_start3A_64 : memref<128x128xf32, #tpu.memory_space<vmem>>) offsets(%dma_start3A_66 : memref<128xi32, #tpu.memory_space<vmem>>) semaphore(%arg8 : memref<!tpu.dma_semaphore, #tpu.memory_space<semaphore_mem>>)
    %scan3A = arith.constant 0 : i32
    %scan3A_70 = arith.constant 0 : i32
    %scan3A_71 = arith.constant 52 : i32
    %scan3A_72 = arith.addi %scan3A_70, %scan3A_71 : i32
    %scan3A_73 = arith.constant 1 : i32
    scf.for %scan3A_90 = %scan3A_70 to %scan3A_72 step %scan3A_73  : i32 {
      %dma_wait3A_91 = arith.constant 0 : i32
      %dma_wait3A_92 = arith.constant 0 : i32
      %dma_wait3A_93 = arith.constant 0 : i32
      %dma_wait3A_94 = arith.constant 0 : i32
      %dma_wait3A_95 = tpu.memref_slice %arg6[%dma_wait3A_92, %dma_wait3A_93, %dma_wait3A_94] : memref<3x256x128xf32, #tpu.memory_space<vmem>> -> memref<1x128x128xf32, #tpu.memory_space<vmem>>
      %dma_wait3A_96 = tpu.memref_squeeze %dma_wait3A_95 : memref<1x128x128xf32, #tpu.memory_space<vmem>> -> memref<128x128xf32, #tpu.memory_space<vmem>>
      %dma_wait3A_97 = arith.constant 0 : i32
      %dma_wait3A_98 = tpu.memref_slice %arg5[%dma_wait3A_91, %dma_wait3A_97] : memref<26x512xi32, #tpu.memory_space<vmem>> -> memref<1x128xi32, #tpu.memory_space<vmem>>
      %dma_wait3A_99 = tpu.memref_squeeze %dma_wait3A_98 : memref<1x128xi32, #tpu.memory_space<vmem>> -> memref<128xi32, #tpu.memory_space<vmem>>
      %dma_wait3A_100 = arith.constant 0 : i32
      %dma_wait3A_101 = arith.constant 0 : i32
      %dma_wait3A_102 = tpu.memref_slice %arg7[%dma_wait3A_100, %dma_wait3A_101] : memref<10x128xf32, #tpu.memory_space<vmem_shared>> -> memref<10x128xf32, #tpu.memory_space<vmem_shared>>
      tpu.wait_indirect_dma semaphore(%arg8 : memref<!tpu.dma_semaphore, #tpu.memory_space<semaphore_mem>>) src(%dma_wait3A_102 : memref<10x128xf32, #tpu.memory_space<vmem_shared>>) dst(%dma_wait3A_96 : memref<128x128xf32, #tpu.memory_space<vmem>>)
      %dma_wait3A_103 = arith.constant 0 : i32
      %dma_wait3A_104 = arith.constant 0 : i32
      %dma_wait3A_105 = arith.constant 0 : i32
      %dma_wait3A_106 = arith.constant 0 : i32
      %dma_wait3A_107 = tpu.memref_slice %arg6[%dma_wait3A_104, %dma_wait3A_105, %dma_wait3A_106] : memref<3x256x128xf32, #tpu.memory_space<vmem>> -> memref<1x128x128xf32, #tpu.memory_space<vmem>>
      %dma_wait3A_108 = tpu.memref_squeeze %dma_wait3A_107 : memref<1x128x128xf32, #tpu.memory_space<vmem>> -> memref<128x128xf32, #tpu.memory_space<vmem>>
      %dma_wait3A_109 = arith.constant 0 : i32
      %dma_wait3A_110 = tpu.memref_slice %arg5[%dma_wait3A_103, %dma_wait3A_109] : memref<26x512xi32, #tpu.memory_space<vmem>> -> memref<1x128xi32, #tpu.memory_space<vmem>>
      %dma_wait3A_111 = tpu.memref_squeeze %dma_wait3A_110 : memref<1x128xi32, #tpu.memory_space<vmem>> -> memref<128xi32, #tpu.memory_space<vmem>>
      %dma_wait3A_112 = arith.constant 0 : i32
      %dma_wait3A_113 = arith.constant 0 : i32
      %dma_wait3A_114 = tpu.memref_slice %arg7[%dma_wait3A_112, %dma_wait3A_113] : memref<10x128xf32, #tpu.memory_space<vmem_shared>> -> memref<10x128xf32, #tpu.memory_space<vmem_shared>>
      tpu.wait_indirect_dma semaphore(%arg8 : memref<!tpu.dma_semaphore, #tpu.memory_space<semaphore_mem>>) src(%dma_wait3A_114 : memref<10x128xf32, #tpu.memory_space<vmem_shared>>) dst(%dma_wait3A_108 : memref<128x128xf32, #tpu.memory_space<vmem>>)
      %rem3A_115 = arith.constant 3 : i32
      %rem3A_116 = arith.remsi %scan3A_90, %rem3A_115 : i32
      %div3A_117 = arith.constant 2 : i32
      %div3A_118 = arith.divsi %scan3A_90, %div3A_117 : i32
      %rem3A_119 = arith.constant 2 : i32
      %rem3A_120 = arith.remsi %scan3A_90, %rem3A_119 : i32
      %mul3A_121 = arith.constant 256 : i32
      %mul3A_122 = arith.muli %rem3A_120, %mul3A_121 : i32
      %add3A_123 = arith.addi %mul3A_2, %mul3A_122 : i32
      %dma_start3A_124 = arith.constant 0 : i32
      %dma_start3A_125 = arith.constant 0 : i32
      %dma_start3A_126 = tpu.memref_slice %arg6[%rem3A_116, %dma_start3A_124, %dma_start3A_125] : memref<3x256x128xf32, #tpu.memory_space<vmem>> -> memref<1x256x128xf32, #tpu.memory_space<vmem>>
      %dma_start3A_127 = tpu.memref_squeeze %dma_start3A_126 : memref<1x256x128xf32, #tpu.memory_space<vmem>> -> memref<256x128xf32, #tpu.memory_space<vmem>>
      %dma_start3A_128 = arith.constant 0 : i32
      %dma_start3A_129 = tpu.memref_slice %arg4[%div3A_118, %add3A_123, %dma_start3A_128] : memref<26x16384x128xf32, #tpu.memory_space<hbm>> -> memref<1x256x128xf32, #tpu.memory_space<hbm>>
      %dma_start3A_130 = tpu.memref_squeeze %dma_start3A_129 : memref<1x256x128xf32, #tpu.memory_space<hbm>> -> memref<256x128xf32, #tpu.memory_space<hbm>>
      %dma_start3A_131 = arith.constant 0 : i32
      %dma_start3A_132 = tpu.memref_slice %arg4[%div3A_118, %add3A_123, %dma_start3A_131] : memref<26x16384x128xf32, #tpu.memory_space<hbm>> -> memref<1x256x128xf32, #tpu.memory_space<hbm>>
      %dma_start3A_133 = tpu.memref_squeeze %dma_start3A_132 : memref<1x256x128xf32, #tpu.memory_space<hbm>> -> memref<256x128xf32, #tpu.memory_space<hbm>>
      %dma_start3A_134 = arith.constant 0 : i32
      %dma_start3A_135 = arith.constant 0 : i32
      %dma_start3A_136 = tpu.memref_slice %arg6[%rem3A_116, %dma_start3A_134, %dma_start3A_135] : memref<3x256x128xf32, #tpu.memory_space<vmem>> -> memref<1x256x128xf32, #tpu.memory_space<vmem>>
      %dma_start3A_137 = tpu.memref_squeeze %dma_start3A_136 : memref<1x256x128xf32, #tpu.memory_space<vmem>> -> memref<256x128xf32, #tpu.memory_space<vmem>>
      tpu.enqueue_dma source(%dma_start3A_137 : memref<256x128xf32, #tpu.memory_space<vmem>>) target(%dma_start3A_133 : memref<256x128xf32, #tpu.memory_space<hbm>>) target_semaphore(%arg9 : memref<!tpu.dma_semaphore, #tpu.memory_space<semaphore_mem>>)
      %gt3A = arith.constant 0 : i32
      %gt3A_138 = arith.cmpi sgt, %scan3A_90, %gt3A : i32
      %convert_element_type3A_139 = arith.extui %gt3A_138 : i1 to i32
      %cond3A_140 = arith.constant 0 : i32
      %cond3A_141 = arith.cmpi ne, %convert_element_type3A_139, %cond3A_140 : i32
      scf.if %cond3A_141 {
        %dma_wait3A_146 = arith.constant 0 : i32
        %dma_wait3A_147 = arith.constant 0 : i32
        %dma_wait3A_148 = arith.constant 0 : i32
        %dma_wait3A_149 = arith.constant 0 : i32
        %dma_wait3A_150 = tpu.memref_slice %arg6[%dma_wait3A_146, %dma_wait3A_148, %dma_wait3A_149] : memref<3x256x128xf32, #tpu.memory_space<vmem>> -> memref<1x256x128xf32, #tpu.memory_space<vmem>>
        %dma_wait3A_151 = tpu.memref_squeeze %dma_wait3A_150 : memref<1x256x128xf32, #tpu.memory_space<vmem>> -> memref<256x128xf32, #tpu.memory_space<vmem>>
        %dma_wait3A_152 = arith.constant 0 : i32
        %dma_wait3A_153 = tpu.memref_slice %arg4[%dma_wait3A_147, %mul3A_2, %dma_wait3A_152] : memref<26x16384x128xf32, #tpu.memory_space<hbm>> -> memref<1x256x128xf32, #tpu.memory_space<hbm>>
        %dma_wait3A_154 = tpu.memref_squeeze %dma_wait3A_153 : memref<1x256x128xf32, #tpu.memory_space<hbm>> -> memref<256x128xf32, #tpu.memory_space<hbm>>
        %dma_wait3A_155 = arith.constant 0 : i32
        %dma_wait3A_156 = tpu.memref_slice %arg4[%dma_wait3A_147, %mul3A_2, %dma_wait3A_155] : memref<26x16384x128xf32, #tpu.memory_space<hbm>> -> memref<1x256x128xf32, #tpu.memory_space<hbm>>
        %dma_wait3A_157 = tpu.memref_squeeze %dma_wait3A_156 : memref<1x256x128xf32, #tpu.memory_space<hbm>> -> memref<256x128xf32, #tpu.memory_space<hbm>>
        %dma_wait3A_158 = arith.constant 0 : i32
        %dma_wait3A_159 = arith.constant 0 : i32
        %dma_wait3A_160 = tpu.memref_slice %arg6[%dma_wait3A_146, %dma_wait3A_158, %dma_wait3A_159] : memref<3x256x128xf32, #tpu.memory_space<vmem>> -> memref<1x256x128xf32, #tpu.memory_space<vmem>>
        %dma_wait3A_161 = tpu.memref_squeeze %dma_wait3A_160 : memref<1x256x128xf32, #tpu.memory_space<vmem>> -> memref<256x128xf32, #tpu.memory_space<vmem>>
        tpu.wait_dma2 semaphore(%arg9 : memref<!tpu.dma_semaphore, #tpu.memory_space<semaphore_mem>>) src(%dma_wait3A_161 : memref<256x128xf32, #tpu.memory_space<vmem>>) dst(%dma_wait3A_157 : memref<256x128xf32, #tpu.memory_space<hbm>>)
      } else {
      }
      %lt3A = arith.constant 50 : i32
      %lt3A_142 = arith.cmpi slt, %scan3A_90, %lt3A : i32
      %convert_element_type3A_143 = arith.extui %lt3A_142 : i1 to i32
      %cond3A_144 = arith.constant 0 : i32
      %cond3A_145 = arith.cmpi ne, %convert_element_type3A_143, %cond3A_144 : i32
      scf.if %cond3A_145 {
        %add3A_146 = arith.constant 2 : i32
        %add3A_147 = arith.addi %scan3A_90, %add3A_146 : i32
        %rem3A_148 = arith.constant 3 : i32
        %rem3A_149 = arith.remsi %add3A_147, %rem3A_148 : i32
        %add3A_150 = arith.constant 2 : i32
        %add3A_151 = arith.addi %scan3A_90, %add3A_150 : i32
        %div3A_152 = arith.constant 2 : i32
        %div3A_153 = arith.divsi %add3A_151, %div3A_152 : i32
        %rem3A_154 = arith.constant 2 : i32
        %rem3A_155 = arith.remsi %add3A_151, %rem3A_154 : i32
        %mul3A_156 = arith.constant 256 : i32
        %mul3A_157 = arith.muli %rem3A_155, %mul3A_156 : i32
        %add3A_158 = arith.constant 0 : i32
        %add3A_159 = arith.addi %mul3A_157, %add3A_158 : i32
        %dma_start3A_160 = arith.constant 0 : i32
        %dma_start3A_161 = arith.constant 0 : i32
        %dma_start3A_162 = tpu.memref_slice %arg6[%rem3A_149, %dma_start3A_160, %dma_start3A_161] : memref<3x256x128xf32, #tpu.memory_space<vmem>> -> memref<1x128x128xf32, #tpu.memory_space<vmem>>
        %dma_start3A_163 = tpu.memref_squeeze %dma_start3A_162 : memref<1x128x128xf32, #tpu.memory_space<vmem>> -> memref<128x128xf32, #tpu.memory_space<vmem>>
        %dma_start3A_164 = tpu.memref_slice %arg5[%div3A_153, %add3A_159] : memref<26x512xi32, #tpu.memory_space<vmem>> -> memref<1x128xi32, #tpu.memory_space<vmem>>
        %dma_start3A_165 = tpu.memref_squeeze %dma_start3A_164 : memref<1x128xi32, #tpu.memory_space<vmem>> -> memref<128xi32, #tpu.memory_space<vmem>>
        %dma_start3A_166 = arith.constant 0 : i32
        %dma_start3A_167 = arith.constant 0 : i32
        %dma_start3A_168 = tpu.memref_slice %arg7[%dma_start3A_166, %dma_start3A_167] : memref<10x128xf32, #tpu.memory_space<vmem_shared>> -> memref<10x128xf32, #tpu.memory_space<vmem_shared>>
        tpu.enqueue_indirect_dma source(%dma_start3A_168 : memref<10x128xf32, #tpu.memory_space<vmem_shared>>) target(%dma_start3A_163 : memref<128x128xf32, #tpu.memory_space<vmem>>) offsets(%dma_start3A_165 : memref<128xi32, #tpu.memory_space<vmem>>) semaphore(%arg8 : memref<!tpu.dma_semaphore, #tpu.memory_space<semaphore_mem>>)
        %mul3A_169 = arith.constant 256 : i32
        %mul3A_170 = arith.muli %rem3A_155, %mul3A_169 : i32
        %add3A_171 = arith.constant 128 : i32
        %add3A_172 = arith.addi %mul3A_170, %add3A_171 : i32
        %dma_start3A_173 = arith.constant 128 : i32
        %dma_start3A_174 = arith.constant 0 : i32
        %dma_start3A_175 = tpu.memref_slice %arg6[%rem3A_149, %dma_start3A_173, %dma_start3A_174] : memref<3x256x128xf32, #tpu.memory_space<vmem>> -> memref<1x128x128xf32, #tpu.memory_space<vmem>>
        %dma_start3A_176 = tpu.memref_squeeze %dma_start3A_175 : memref<1x128x128xf32, #tpu.memory_space<vmem>> -> memref<128x128xf32, #tpu.memory_space<vmem>>
        %dma_start3A_177 = tpu.memref_slice %arg5[%div3A_153, %add3A_172] : memref<26x512xi32, #tpu.memory_space<vmem>> -> memref<1x128xi32, #tpu.memory_space<vmem>>
        %dma_start3A_178 = tpu.memref_squeeze %dma_start3A_177 : memref<1x128xi32, #tpu.memory_space<vmem>> -> memref<128xi32, #tpu.memory_space<vmem>>
        %dma_start3A_179 = arith.constant 0 : i32
        %dma_start3A_180 = arith.constant 0 : i32
        %dma_start3A_181 = tpu.memref_slice %arg7[%dma_start3A_179, %dma_start3A_180] : memref<10x128xf32, #tpu.memory_space<vmem_shared>> -> memref<10x128xf32, #tpu.memory_space<vmem_shared>>
        tpu.enqueue_indirect_dma source(%dma_start3A_181 : memref<10x128xf32, #tpu.memory_space<vmem_shared>>) target(%dma_start3A_176 : memref<128x128xf32, #tpu.memory_space<vmem>>) offsets(%dma_start3A_178 : memref<128xi32, #tpu.memory_space<vmem>>) semaphore(%arg8 : memref<!tpu.dma_semaphore, #tpu.memory_space<semaphore_mem>>)
      } else {
      }
    }
    %scan3A_74 = arith.constant 52 : i32
    %dma_wait3A = arith.constant 0 : i32
    %dma_wait3A_75 = arith.constant 0 : i32
    %dma_wait3A_76 = arith.constant 0 : i32
    %dma_wait3A_77 = arith.constant 0 : i32
    %dma_wait3A_78 = tpu.memref_slice %arg6[%dma_wait3A, %dma_wait3A_76, %dma_wait3A_77] : memref<3x256x128xf32, #tpu.memory_space<vmem>> -> memref<1x256x128xf32, #tpu.memory_space<vmem>>
    %dma_wait3A_79 = tpu.memref_squeeze %dma_wait3A_78 : memref<1x256x128xf32, #tpu.memory_space<vmem>> -> memref<256x128xf32, #tpu.memory_space<vmem>>
    %dma_wait3A_80 = arith.constant 0 : i32
    %dma_wait3A_81 = tpu.memref_slice %arg4[%dma_wait3A_75, %mul3A_2, %dma_wait3A_80] : memref<26x16384x128xf32, #tpu.memory_space<hbm>> -> memref<1x256x128xf32, #tpu.memory_space<hbm>>
    %dma_wait3A_82 = tpu.memref_squeeze %dma_wait3A_81 : memref<1x256x128xf32, #tpu.memory_space<hbm>> -> memref<256x128xf32, #tpu.memory_space<hbm>>
    %dma_wait3A_83 = arith.constant 0 : i32
    %dma_wait3A_84 = tpu.memref_slice %arg4[%dma_wait3A_75, %mul3A_2, %dma_wait3A_83] : memref<26x16384x128xf32, #tpu.memory_space<hbm>> -> memref<1x256x128xf32, #tpu.memory_space<hbm>>
    %dma_wait3A_85 = tpu.memref_squeeze %dma_wait3A_84 : memref<1x256x128xf32, #tpu.memory_space<hbm>> -> memref<256x128xf32, #tpu.memory_space<hbm>>
    %dma_wait3A_86 = arith.constant 0 : i32
    %dma_wait3A_87 = arith.constant 0 : i32
    %dma_wait3A_88 = tpu.memref_slice %arg6[%dma_wait3A, %dma_wait3A_86, %dma_wait3A_87] : memref<3x256x128xf32, #tpu.memory_space<vmem>> -> memref<1x256x128xf32, #tpu.memory_space<vmem>>
    %dma_wait3A_89 = tpu.memref_squeeze %dma_wait3A_88 : memref<1x256x128xf32, #tpu.memory_space<vmem>> -> memref<256x128xf32, #tpu.memory_space<vmem>>
    tpu.wait_dma2 semaphore(%arg9 : memref<!tpu.dma_semaphore, #tpu.memory_space<semaphore_mem>>) src(%dma_wait3A_89 : memref<256x128xf32, #tpu.memory_space<vmem>>) dst(%dma_wait3A_85 : memref<256x128xf32, #tpu.memory_space<hbm>>)
    return
  }
}

</mosaic_0001>

<sc_bundles>
// kernel: kernel.3.cloned.1.call-start
scs
__scs_entry_jumppad:
0x0: {  	(pc) =	sbr.rel $0x88, $3  }
0x1: {  	(tag) =	ssettag $0x0;
	lr =	simm.s32 $0x1  }
0x2: {  	[smem:$0x3F9F] =	sst lr;
	_ =	strace $0xD0000000  }
0x3: {  	_ = 	snop  }
0x4: {  	_ = 	snop  }
0x5: {  	_ = 	snop  }
0x6: {  	_ = 	snop  }
0x7: {  	_ = 	snop  }
__scs_overlays_trampoline_lowered:
0x8: {  	[smem:$0x3FAE] =	sst s0  }
0x9: {  	[smem:$0x3FAF] =	sst s1  }
0xa: {  	[smem:$0x3FB0] =	sst s2  }
0xb: {  	[smem:$0x3FB1] =	sst s3  }
0xc: {  	[smem:$0x3FB2] =	sst s4  }
0xd: {  	[smem:$0x3FB3] =	sst s5  }
0xe: {  	[smem:$0x3FB4] =	sst s6  }
0xf: {  	[smem:$0x3FB5] =	sst s7  }
0x10: {  	[smem:$0x3FB6] =	sst s8  }
0x11: {  	[smem:$0x3FB7] =	sst s9;
	s0 =	simm.s32 @!p0 $0x0  }
0x12: {  	s1 =	sld [smem:$0x3F9D];
	s0 =	simm.s32 @p0 $0x1  }
0x13: {  	[smem:$0x3FB8] =	sst s0;
	s0 =	simm.s32 @!p1 $0x0  }
0x14: {  	s2 =	sld [smem:$0x3F9C];
	s0 =	simm.s32 @p1 $0x1  }
0x15: {  	[smem:$0x3FB9] =	sst s0;
	s0 =	simm.s32 @!p2 $0x0  }
0x16: {  	s3 =	sld [smem:$0x3FDB];
	s0 =	simm.s32 @p2 $0x1  }
0x17: {  	s4 =	simm.s32 $0x1BF5;
	[smem:$0x3FBB] =	sst s0  }
0x18: {  	s0 =	sld [smem:$0x3F9E];
	_ =	swait.ge [sflag:s4], $0x0  }
0x19: {  	s7 =	sld [smem:$0x3F9F]  }
0x1a: {  	s8 =	sadd.s32 $0xFFFFE003, lr  }
0x1b: {  	s9 =	sadd.s32 $0xFFFFFEF7, lr;
	s5 =	simm.s32 $0xFFFFFFFF;
	p2 =	slt.u32 s8, $0xFFFFF086  }
0x1c: {  	p1 =	slt.u32 s9, $0xF7A;
	s5 =	simm.s32 @!p2 $0x0  }
0x1d: {  	s5 =	simm.s32 @p1 $0x1;
	p0 =	seq.s32 s7, s2  }
0x1e: {  	s7 =	smul.u32 @!p0 $0xF7A, s2;
	p2 =	seq.s32 @!p0 s5, $0x0  }
0x1f: {  	s9 =	smul.u32 $0xF7A, s1;
	s8 =	simm.s32 @!p0 $0x1BF5;
	p2 =	por !p2, p0  }
0x20: {  	[sflag:s8] =	ssyncset.s32 @!p0 $0xFFFFF086;
	s6 =	sadd.s32 @!p0 s3, s7;
	s7 =	simm.s32 @!p0 $0x108  }
0x21: {  	s3 =	sadd.s32 s3, s9;
	s6 =	sadd.s32 @!p0 $0x88, s6;
	s7 =	simm.s32 @p2 $0x1082  }
0x22: {  	[simem:s7], [sflag:s8] =	dma.local @!p0 [hbm:s6], $0xF7A  }
0x23: {  	s9 =	sor.u32 $0xD0000000, s2;
	s6 =	simm.s32 $0x108;
	_ =	swait.ge @!p0 [sflag:s8], $0x0  }
0x24: {  	s3 =	sadd.s32 $0x88, s3;
	s6 =	simm.s32 @!p1 $0x1082;
	[sflag:s4] =	ssyncset.s32 $0xFFFFF086  }
0x25: {  	[simem:s6], [sflag:s4] =	dma.local [hbm:s3], $0xF7A  }
0x26: {  	[smem:$0x3F9F] =	sst s1;
	(tag) =	ssettag s2;
	_ =	strace s9  }
0x27: {  	s1 =	sld [smem:$0x3FAF]  }
0x28: {  	s2 =	sld [smem:$0x3FB0]  }
0x29: {  	s4 =	sld [smem:$0x3FB2]  }
0x2a: {  	p0 =	seq.s32 s5, $0x0;
	s5 =	sld [smem:$0x3FB3]  }
0x2b: {  	s6 =	sld [smem:$0x3FB4]  }
0x2c: {  	s7 =	sld [smem:$0x3FB5]  }
0x2d: {  	s3 =	simm.s32 $0x108;
	s8 =	sld [smem:$0x3FB6]  }
0x2e: {  	s3 =	simm.s32 @!p0 $0x1082;
	s9 =	sld [smem:$0x3FB7]  }
0x2f: {  	lr =	sadd.s32 s0, s3;
	s0 =	sld [smem:$0x3FAE]  }
0x30: {  	s3 =	sld [smem:$0x3FB1]  }
0x31: {  	[smem:$0x3FBA] =	sst s10  }
0x32: {  	s10 =	sld [smem:$0x3FB8];
	_ =	sdelay $0x3  }
0x33: {  	p0 =	seq.s32 s10, $0x1;
	s10 =	sld [smem:$0x3FBA];
	_ =	sdelay $0x3  }
0x34: {  	[smem:$0x3FBA] =	sst s10  }
0x35: {  	s10 =	sld [smem:$0x3FB9];
	_ =	sdelay $0x3  }
0x36: {  	p1 =	seq.s32 s10, $0x1;
	s10 =	sld [smem:$0x3FBA];
	_ =	sdelay $0x3  }
0x37: {  	[smem:$0x3FBA] =	sst s10  }
0x38: {  	s10 =	sld [smem:$0x3FBB]  }
0x39: {  	_ = 	snop;
	(pc) =	sbr.ind lr, $3  }
0x3a: {  	_ = 	snop  }
0x3b: {  	_ = 	snop  }
0x3c: {  	p2 =	seq.s32 s10, $0x1;
	s10 =	sld [smem:$0x3FBA]  }
0x3d: {  	_ =	shalt  }
0x3e: {  	_ =	shalt  }
0x3f: {  	_ =	shalt  }
0x40: {  	_ =	shalt  }
0x41: {  	_ =	shalt  }
0x42: {  	_ =	shalt  }
0x43: {  	_ =	shalt  }
0x44: {  	_ =	shalt  }
0x45: {  	_ =	shalt  }
0x46: {  	_ =	shalt  }
0x47: {  	_ =	shalt  }
0x48: {  	_ =	shalt  }
0x49: {  	_ =	shalt  }
0x4a: {  	_ =	shalt  }
0x4b: {  	_ =	shalt  }
0x4c: {  	_ =	shalt  }
0x4d: {  	_ =	shalt  }
0x4e: {  	_ =	shalt  }
0x4f: {  	_ =	shalt  }
0x50: {  	_ =	shalt  }
0x51: {  	_ =	shalt  }
0x52: {  	_ =	shalt  }
0x53: {  	_ =	shalt  }
0x54: {  	_ =	shalt  }
0x55: {  	_ =	shalt  }
0x56: {  	_ =	shalt  }
0x57: {  	_ =	shalt  }
0x58: {  	_ =	shalt  }
0x59: {  	_ =	shalt  }
0x5a: {  	_ =	shalt  }
0x5b: {  	_ =	shalt  }
0x5c: {  	_ =	shalt  }
0x5d: {  	_ =	shalt  }
0x5e: {  	_ =	shalt  }
0x5f: {  	_ =	shalt  }
0x60: {  	_ =	shalt  }
0x61: {  	_ =	shalt  }
0x62: {  	_ =	shalt  }
0x63: {  	_ =	shalt  }
0x64: {  	_ =	shalt  }
0x65: {  	_ =	shalt  }
0x66: {  	_ =	shalt  }
0x67: {  	_ =	shalt  }
0x68: {  	_ =	shalt  }
0x69: {  	_ =	shalt  }
0x6a: {  	_ =	shalt  }
0x6b: {  	_ =	shalt  }
0x6c: {  	_ =	shalt  }
0x6d: {  	_ =	shalt  }
0x6e: {  	_ =	shalt  }
0x6f: {  	_ =	shalt  }
0x70: {  	_ =	shalt  }
0x71: {  	_ =	shalt  }
0x72: {  	_ =	shalt  }
0x73: {  	_ =	shalt  }
0x74: {  	_ =	shalt  }
0x75: {  	_ =	shalt  }
0x76: {  	_ =	shalt  }
0x77: {  	_ =	shalt  }
0x78: {  	_ =	shalt  }
0x79: {  	_ =	shalt  }
0x7a: {  	_ =	shalt  }
0x7b: {  	_ =	shalt  }
0x7c: {  	_ =	shalt  }
0x7d: {  	_ =	shalt  }
0x7e: {  	_ =	shalt  }
0x7f: {  	_ =	shalt  }
0x80: {  	_ =	shalt  }
0x81: {  	_ =	shalt  }
0x82: {  	_ =	shalt  }
0x83: {  	_ =	shalt  }
0x84: {  	_ =	shalt  }
0x85: {  	_ =	shalt  }
0x86: {  	_ =	shalt  }
0x87: {  	_ =	shalt  }
.Lfunc_end0:
.L_simem_size_0:
called_computation_lowered:
.L_overlay_start_0:
0x88: {  	s2 =	sld [smem:$0x3FD9]  }
0x89: {  	s3 =	sld [smem:$0x3FFE];
	_ =	sdelay $0x1  }
0x8a: {  	s1 =	srdreg.scid  }
0x8b: {  	s0 =	sand.u32 $0x1, s1  }
0x8c: {  	s18 =	sshll.u32 s0, $0xA;
	s2 =	sadd.s32 s3, s2  }
0x8d: {  	s2 =	sadd.s32 s2, s18  }
0x8e: {  	[smem:$0x3FC6] =	sst s2  }
0x8f: {  	_ = 	snop  }
0x90: {  	s2 =	sld [smem:$0x3FC9]  }
0x91: {  	s19 =	sld [smem:$0x3FC8]  }
0x92: {  	s4 =	sld [smem:$0x3FD0];
	(tm) =	ssettm $0x1  }
0x93: {  	s5 =	sld [smem:$0x3FFB];
	_ =	sdelay $0x3  }
0x94: {  	_ =	strace s5  }
0x95: {  	s5 =	sld [smem:$0x3FFC];
	_ =	sdelay $0x3  }
0x96: {  	_ =	strace s5  }
0x97: {  	s5 =	sld [smem:$0x3FFD];
	_ =	sdelay $0x3  }
0x98: {  	_ =	strace s5  }
0x99: {  	_ =	strace $0x8FFFFFFF  }
0x9a: {  	s20 =	sld [smem:$0x3FDB];
	_ =	sdelay $0x1  }
0x9b: {  	s6 =	simm.s32 $_scs_section_size  }
0x9c: {  	s7 =	simm.s32 $_size__tile_overlayer_lowered;
	s8 =	simm.s32 $_tile_overlayer_lowered  }
0x9d: {  	s23 =	simm.s32 $0x1BFF;
	s22 =	sshll.u32 s8, $0x1;
	s5 =	sadd.s32 s6, s20  }
0x9e: {  	s9 =	simm.s32 $0x0;
	s21 =	sshll.u32 s7, $0x1;
	s7 =	sadd.s32 s22, s5  }
0x9f: {  	[timem:s9], [sflag:s23] =	dma.local [hbm:s7], s21  }
0xa0: {  	_ =	swait.ge [sflag:s23], s21  }
0xa1: {  	s6 =	ssub.s32 $0x0, s21;
	[sflag:s23] =	ssyncset.done $0x0  }
0xa2: {  	[sflag:s23] =	ssyncadd.s32 s6;
	_ =	sdelay $0x1  }
0xa3: {  	s24 =	simm.s32 $0x1B8B  }
0xa4: {  	_ =	swait.ge [sflag:s24], $0x1  }
0xa5: {  	[sflag:s24] =	ssyncset.done $0x0  }
0xa6: {  	s25 =	simm.s32 $0x1B8E;
	[sflag:s24] =	ssyncadd.s32 $0xFFFFFFFF  }
0xa7: {  	s26 =	simm.s32 $execute0_lowered;
	[smem:$0x3FD2] =	sst s25  }
0xa8: {  	s6 =	sshll.u32 s26, $0x1;
	_ =	strace $0x80000046;
	[dreg:$0x1] =	wrdreg $0xFFFFFFFF  }
0xa9: {  	s28 =	simm.s32 $_size_execute0_lowered;
	s5 =	sadd.s32 s5, s6;
	[dreg:$0x0] =	wrdreg $0x0  }
0xaa: {  	s6 =	sshll.u32 s28, $0x1;
	[dreg:$0x2] =	wrdreg s5  }
0xab: {  	[dreg:$0x3] =	wrdreg s6  }
0xac: {  	[dreg:$0x4] =	wrdreg $0xC0  }
0xad: {  	_ =	task [dreg:s9], $0x5FFFF  }
0xae: {  	[dreg:$0x1] =	wrdreg $0xFFFFFFFF  }
0xaf: {  	[dreg:$0x0] =	wrdreg $0x60  }
0xb0: {  	[dreg:$0x2] =	wrdreg s2  }
0xb1: {  	[dreg:$0x3] =	wrdreg s19  }
0xb2: {  	[dreg:$0x4] =	wrdreg s4  }
0xb3: {  	[dreg:$0x5] =	wrdreg $0x1C0000  }
0xb4: {  	[dreg:$0x6] =	wrdreg $0x9  }
0xb5: {  	_ =	task.clear_ibuf [dreg:s9], $0x7FFFF;
	_ =	strace $0x90000046  }
0xb6: {  	s29 =	simm.s32 $0x9;
	_ =	strace $0x80000048  }
0xb7: {  	_ =	swait.ge [sflag:s29], $0x1  }
0xb8: {  	[sflag:s29] =	ssyncadd.s32 $0xFFFFFFFF  }
0xb9: {  	_ =	strace $0x90000048  }
0xba: {  	_ =	sfence  }
0xbb: {  	s30 =	sld [smem:$0x0];
	_ =	sdelay $0x2  }
0xbc: {  	s31 =	sshll.u32 s1, $0xD;
	s1 =	sshrl.u32 s1, $0x2  }
0xbd: {  	s3 =	sand.u32 $0x4000, s31;
	s1 =	sadd.s32 s1, s30  }
0xbe: {  	s0 =	sor.u32 s3, s0;
	s1 =	sshll.u32 s1, $0x11  }
0xbf: {  	s0 =	sor.u32 s1, s0  }
0xc0: {  	s0 =	sadd.s32 $0x8F2B, s0  }
0xc1: {  	[sflag:s0] =	ssyncadd.remote.s32 $0x1  }
0xc2: {  	_ =	sfence.sel $0xFFFF  }
0xc3: {  	[dreg:$0x0] =	wrdreg $0xFFFFFFFF;
	(pc) =	sbr.abs _section_cstart, $3  }
0xc4: {  	[dreg:$0x1] =	wrdreg $0xFFFFFFFF  }
0xc5: {  	_ =	task.clear_ibuf [dreg:s9], $0x2FFFF;
	_ =	strace $0x9FFFFFFF  }
0xc6: {  	(tm) =	ssettm $0x7FFFFFFF  }
0xc7: {  	_ =	shalt  }
tec
execute0_lowered:
.L_overlay_start_1:
0x0: {  	(tag) =	ssettag $0x1  }
0x1: {  	s4 =	rddreg [dreg:$0x0]  }
0x2: {  	s1 =	rddreg [dreg:$0x1]  }
0x3: {  	s5 =	rddreg [dreg:$0x2]  }
0x4: {  	s2 =	rddreg [dreg:$0x3]  }
0x5: {  	s0 =	rddreg [dreg:$0x4];
	s3 =	simm.s32 $0x0;
	s6 =	srdreg.scid  }
0x6: {  	s7 =	stileid.u32;
	s11 =	simm.s32 $0x80;
	s12 =	simm.s32 $0x4000  }
0x7: {  	s13 =	simm.s32 $0x400;
	s14 =	simm.s32 $0x8000;
	s15 =	simm.s32 $0x800  }
0x8: {  	s16 =	simm.s32 $0xC000;
	s17 =	simm.s32 $0xC00;
	s18 =	simm.s32 $0x10000  }
0x9: {  	s19 =	simm.s32 $0x1;
	s20 =	simm.s32 $0x2;
	s21 =	simm.s32 $0x0  }
0xa: {  	[smem:$0x7FF] =	sst s3;
	s6 =	sand.u32 $0x1, s6;
	s9 =	sshll.u32 s7, $0xA  }
0xb: {  	p0 =	sne.s32 s7, $0x0;
	s7 =	simm.s32 $0x1000;
	s8 =	ssub.s32 $0x2, s6  }
0xc: {  	s6 =	sshll.u32 s6, $0x9;
	_ =	strace $0x80000047;
	s10 =	sshrl.u32 s8, $0x1  }
0xd: {  	s6 =	sor.u32 s6, s9;
	s9 =	simm.s32 $0x3;
	s8 =	ssub.s32 s8, s10  }
0xe: {  	s4 =	sadd.s32 s4, s6;
	s6 =	sshll.u32 s6, $0x4;
	s10 =	sshrl.u32 @!p0 s2, $0x3  }
0xf: {  	s5 =	sadd.s32 s5, s6;
	s6 =	smax.u32 s8, $0x1;
	s8 =	simm.s32 $0x20000  }
.LBB2_1:
0x10: {  	[tilespmem:s3], [sflag:$0x3] =	stream.strided.gather [hbm4b:s4+s7], $0x4000, s8, s7, $0x38;
	[tilespmem:$0x1C050] =	vst v63  }
0x11: {  	_ =	swait.ge [sflag:s9], $0x4000  }
0x12: {  	[sflag:s9] =	ssyncset.done $0x0  }
0x13: {  	s22 =	simm.s32 @!p0 $0x1C03;
	[sflag:s9] =	ssyncadd.s32 $0xFFFFC000  }
0x14: {  	[spmem:s10], [sflag:s22] =	dma.local @!p0 [hbm:s1], $0xA0  }
0x15: {  	s22 =	simm.s32 @!p0 $0x3  }
0x16: {  	_ =	swait.ge @!p0 [sflag:s22], $0xA0  }
0x17: {  	[sflag:s22] =	ssyncset.done @!p0 $0x0  }
0x18: {  	[sflag:s22] =	ssyncadd.s32 @!p0 $0xFFFFFF60  }
0x19: {  	[bflag:$0x0] =	sbarrier.arrive $0xFFFF  }
0x1a: {  	[tilespmem:s12], [sflag:$0x1] =	stream.indirect.gather [spmem:s2], $0x80, s3, s11, $0xb8;
	[tilespmem:$0x1C050] =	vst v63  }
0x1b: {  	_ = 	snop  }
0x1c: {  	[tilespmem:s14], [sflag:$0x1] =	stream.indirect.gather [spmem:s2], $0x80, s13, s11, $0xb8;
	[tilespmem:$0x1C050] =	vst v63  }
0x1d: {  	s23 =	simm.s32 $0x0  }
0x1e: {  	[tilespmem:s16], [sflag:$0x1] =	stream.indirect.gather [spmem:s2], $0x80, s15, s11, $0xb8;
	[tilespmem:$0x1C050] =	vst v63  }
0x1f: {  	s24 =	simm.s32 $0x0;
	s25 =	simm.s32 $0x0;
	s22 =	simm.s32 $0x0  }
0x20: {  	[tilespmem:s18], [sflag:$0x1] =	stream.indirect.gather [spmem:s2], $0x80, s17, s11, $0xb8;
	[tilespmem:$0x1C050] =	vst v63  }
.LBB2_2:
0x21: {  	s26 =	smul.u32 $0xAB, s25;
	_ =	sdelay $0x1  }
0x22: {  	s26 =	sshrl.u32 s26, $0x9  }
0x23: {  	s26 =	sand.u32 $0x7F, s26  }
0x24: {  	_ =	swait.ge [sflag:s19], $0x4000;
	s26 =	smul.u32 $0x3, s26  }
0x25: {  	s28 =	sand.u32 $0x1000, s23;
	[sflag:s19] =	ssyncset.done $0x0  }
0x26: {  	s29 =	sand.u32 $0x7C0000, s24;
	[sflag:s19] =	ssyncadd.s32 $0xFFFFC000;
	s26 =	ssub.s32 s25, s26  }
0x27: {  	p1 =	seq.s32 s24, $0x0;
	_ =	swait.ge [sflag:s19], $0x4000;
	s26 =	sand.u32 $0xFF, s26  }
0x28: {  	s28 =	sadd.s32 s28, s5;
	[sflag:s19] =	ssyncset.done $0x0;
	s26 =	sshll.u32 s26, $0xF  }
0x29: {  	s28 =	sadd.s32 s29, s28;
	[sflag:s19] =	ssyncadd.s32 $0xFFFFC000;
	s26 =	sor.u32 $0x4000, s26  }
0x2a: {  	[hbm4b:s28+s3] =	stream.linear.scatter [tilespmem:s26], [sflag:$0x2], $0x8000, $0x38;
	[tilespmem:$0x1C050] =	vst v63  }
0x2b: {  	s26 =	simm.s32 @!p1 $0x2  }
0x2c: {  	p2 =	sgt.u32 @!p1 s25, $0x31;
	_ =	swait.ge @!p1 [sflag:s26], $0x8000  }
0x2d: {  	p2 =	por p1, !p2;
	[sflag:s26] =	ssyncset.done @!p1 $0x0  }
0x2e: {  	[sflag:s26] =	ssyncadd.s32 @!p1 $0xFFFF8000;
	s26 =	sadd.s32 @p2 $0x2, s25  }
0x2f: {  	s28 =	smul.u32 @p2 $0xAB, s26;
	_ =	sdelay $0x1  }
0x30: {  	s28 =	sshrl.u32 @p2 s28, $0x9  }
0x31: {  	s28 =	sand.u32 @p2 $0x7F, s28  }
0x32: {  	s24 =	sadd.s32 $0x20000, s24;
	s30 =	sand.u32 @p2 $0x2000, s22;
	s28 =	smul.u32 @p2 $0x3, s28  }
0x33: {  	s30 =	sshrl.u32 @p2 s30, $0x2;
	s25 =	sadd.s32 $0x1, s25;
	s29 =	sshll.u32 @p2 s26, $0x8  }
0x34: {  	p1 =	sne.s32 s25, $0x34;
	s29 =	sand.u32 @p2 $0x7000, s29;
	s28 =	ssub.s32 @p2 s26, s28  }
0x35: {  	s29 =	sor.u32 @p2 s30, s29;
	s26 =	sshll.u32 @p2 s26, $0x6;
	s28 =	sand.u32 @p2 $0xFF, s28  }
.Ltmp0:
0x36: {  	s26 =	sand.u32 @p2 $0x380, s26;
	s28 =	sshll.u32 @p2 s28, $0xF;
	(pc) =	sbr.rel @p1 .LBB2_2-.Ltmp0, $4  }
0x37: {  	s23 =	sadd.s32 $0x1000, s23;
	s26 =	sor.u32 @p2 s26, s29;
	s30 =	sor.u32 @p2 $0x4000, s28  }
0x38: {  	[tilespmem:s30], [sflag:$0x1] =	stream.indirect.gather @p2 [spmem:s2], $0x80, s26, s11, $0xb8;
	[tilespmem:$0x1C050] =	vst v63  }
0x39: {  	s22 =	sadd.s32 $0x2000, s22;
	s28 =	sadd.s32 @p2 $0x8000, s28;
	s26 =	sor.u32 @p2 $0x400, s26  }
0x3a: {  	[tilespmem:s28], [sflag:$0x1] =	stream.indirect.gather @p2 [spmem:s2], $0x80, s26, s11, $0xb8;
	[tilespmem:$0x1C050] =	vst v63  }
0x3b: {  	s21 =	sadd.s32 $0x1, s21  }
0x3c: {  	p1 =	sne.s32 s21, s6  }
.Ltmp1:
0x3d: {  	_ = 	snop;
	(pc) =	sbr.rel @p1 .LBB2_1-.Ltmp1, $4  }
0x3e: {  	_ = 	snop  }
0x3f: {  	_ =	swait.ge [sflag:s20], $0x8000  }
0x40: {  	[sflag:s20] =	ssyncset.done $0x0  }
0x41: {  	[sflag:s20] =	ssyncadd.s32 $0xFFFF8000  }
0x42: {  	_ =	sfence.sel $0x180000  }
0x43: {  	[bflag:$0x0] =	sbarrier.arrive $0xFFFF  }
0x44: {  	_ =	strace $0x90000047  }
0x45: {  	s0 =	sadd.s32 @!p0 $0x100000, s0;
	[bflag:$0x2] =	sbarrier.arrive $0xFFFF  }
0x46: {  	[sflag:s0] =	ssyncadd.tile.s32 @!p0 $0x1;
	_ =	shalt  }
.Lfunc_end2:
_tile_overlayer_lowered:
.L_overlay_start_2:
0x47: {  	(tag) =	ssettag $0x2  }
0x48: {  	s0 =	rddreg [dreg:$0x0];
	s2 =	stileid.u32  }
0x49: {  	s1 =	rddreg [dreg:$0x1];
	p0 =	sne.s32 s2, $0x0  }
0x4a: {  	s3 =	rddreg [dreg:$0x2];
	[bflag:$0x3] =	sbarrier.arrive $0xFFFF;
	s2 =	simm.s32 @!p0 $0x1C03  }
0x4b: {  	[timem:s3], [sflag:s2] =	dma.local @!p0 [hbm:s0], s1  }
0x4c: {  	s0 =	simm.s32 @!p0 $0x3  }
0x4d: {  	_ =	swait.ge @!p0 [sflag:s0], s1  }
0x4e: {  	s1 =	ssub.s32 @!p0 $0x0, s1;
	[sflag:s0] =	ssyncset.done @!p0 $0x0  }
0x4f: {  	[sflag:s0] =	ssyncadd.s32 @!p0 s1  }
0x50: {  	[bflag:$0x3] =	sbarrier.arrive $0xFFFF  }
0x51: {  	_ =	shalt  }

</sc_bundles>
